<compile_context>
chip_gen: v7x
topology: tpu7x:2x2x1
jax: 0.10.2.dev20260603
libtpu: 0.0.44.dev20260713+nightly
codegen_flags: <defaults>
</compile_context>

<pallas_src>
import functools

import jax
import jax.numpy as jnp
from jax import lax
from jax.experimental import pallas as pl
from jax.experimental.pallas import tpu as pltpu
from jax.experimental.pallas import tpu_sc as plsc

_NUM_BUCKETS = 10000
_BATCH = 16384
_L = 16
_NC = 1
_NS = 16
_NW = _NC * _NS
_B_PER_W = _BATCH // _NW


def _body(table_hbm, idx_hbm, dense_hbm, w1_hbm, b1_hbm, w2_hbm, b2_hbm,
          out_hbm, idx_v, w_v, dense_v, pv, out_v, sem):
    wid = lax.axis_index("s") * _NC + lax.axis_index("c")
    base = wid * _B_PER_W

    c_idx = pltpu.async_copy(idx_hbm.at[pl.ds(base, _B_PER_W)], idx_v, sem)
    c_d = pltpu.async_copy(dense_hbm.at[pl.ds(base, _B_PER_W)], dense_v, sem)
    c_w1 = pltpu.async_copy(w1_hbm, pv.at[pl.ds(0, 1)], sem)
    c_b1 = pltpu.async_copy(b1_hbm, pv.at[pl.ds(8, 1)], sem)
    c_w2 = pltpu.async_copy(w2_hbm, pv.at[pl.ds(16, 2)], sem)
    c_b2 = pltpu.async_copy(b2_hbm, pv.at[pl.ds(24, 1)], sem)

    c_idx.wait()
    g = pltpu.async_copy(table_hbm.at[idx_v], w_v, sem)

    c_d.wait()
    c_w1.wait()
    c_b1.wait()
    c_w2.wait()
    c_b2.wait()

    va = pv[pl.ds(0, _L)]
    vb = pv[pl.ds(_L, _L)]
    w1v = jnp.full((_L,), va[0], jnp.float32)
    b1v = jnp.full((_L,), va[8], jnp.float32)
    w2a = jnp.full((_L,), vb[0], jnp.float32)
    w2b = jnp.full((_L,), vb[1], jnp.float32)
    b2v = jnp.full((_L,), vb[8], jnp.float32)
    one = jnp.full((_L,), 1.0, jnp.float32)

    g.wait()

    @plsc.parallel_loop(0, _B_PER_W, _L, unroll=4)
    def _(off):
        w = w_v[pl.ds(off, _L)]
        x1 = one / (one + jnp.exp(-(w * w1v + b1v)))
        d = dense_v[pl.ds(off, _L)]
        y = one / (one + jnp.exp(-(x1 * w2a + d * w2b + b2v)))
        out_v[pl.ds(off, _L)] = y

    pltpu.sync_copy(out_v, out_hbm.at[pl.ds(base, _B_PER_W)])


@jax.jit
def _run(table, idx, dense, w1, b1, w2, b2):
    mesh = plsc.VectorSubcoreMesh(
        core_axis_name="c", subcore_axis_name="s", num_cores=_NC)
    f = functools.partial(
        pl.kernel,
        mesh=mesh,
        out_type=jax.ShapeDtypeStruct((_BATCH,), jnp.float32),
        compiler_params=pltpu.CompilerParams(
            needs_layout_passes=False, use_tc_tiling_on_sc=False),
        scratch_types=[
            pltpu.VMEM((_B_PER_W,), jnp.int32),
            pltpu.VMEM((_B_PER_W,), jnp.float32),
            pltpu.VMEM((_B_PER_W,), jnp.float32),
            pltpu.VMEM((2 * _L,), jnp.float32),
            pltpu.VMEM((_B_PER_W,), jnp.float32),
            pltpu.SemaphoreType.DMA,
        ],
    )(_body)
    return f(table, idx, dense, w1, b1, w2, b2)


def kernel(sparse_col, dense_col, kernel, w1, b1, w2, b2):
    idx = sparse_col.astype(jnp.int32)
    dense = dense_col.reshape(-1)
    out = _run(kernel, idx, dense, w1.reshape(-1), b1, w2.reshape(-1), b2)
    return out.reshape(_BATCH, 1)

# --- scband reference (transcript-rebuilt; emitter-appended) ---
"""Pipeline reference for scband-my-model-87522843559052 (READ-ONLY COPY).

The authoritative reference and input builder live on the scoring server;
editing this copy changes nothing except your own understanding.
"""

import jax, jax.numpy as jnp
import numpy as np

NUM_BUCKETS = 10000
BATCH = 16384

def setup_inputs(seed: int = 0) -> dict:
    key = jax.random.key(seed)
    k1, k2, k3, k4, k5, k6, k7 = jax.random.split(key, 7)
    sparse_col = jax.random.randint(k1, (BATCH,), 0, NUM_BUCKETS, dtype=jnp.int64) if jax.config.jax_enable_x64 else jax.random.randint(k1, (BATCH,), 0, NUM_BUCKETS, dtype=jnp.int32)
    dense_col = jax.random.normal(k2, (BATCH, 1), dtype=jnp.float32)
    # learned params
    kernel = jax.random.uniform(k3, (NUM_BUCKETS,), dtype=jnp.float32, minval=-0.05, maxval=0.05)  # SparseSlice kernel
    w1 = jax.random.normal(k4, (1, 1), dtype=jnp.float32) * 0.1   # dense1
    b1 = jnp.zeros((1,), dtype=jnp.float32)
    w2 = jax.random.normal(k5, (2, 1), dtype=jnp.float32) * 0.1   # dense2
    b2 = jnp.zeros((1,), dtype=jnp.float32)
    return {"sparse_col": sparse_col, "dense_col": dense_col, "kernel": kernel,
            "w1": w1, "b1": b1, "w2": w2, "b2": b2}


def reference(sparse_col, dense_col, kernel, w1, b1, w2, b2):
    # hash bucketization (TF uses fingerprint hashing; modulo is the faithful
    # integer-id analog keeping ids in [0, num_buckets))
    ids = jnp.mod(sparse_col, NUM_BUCKETS)
    # SparseSlice: gather scalar weight per id, expand to [N, 1]
    sparse_out = jnp.expand_dims(jnp.take(kernel, ids, axis=0), axis=1)
    # dense1: Dense(1, sigmoid)
    x1 = jax.nn.sigmoid(sparse_out @ w1 + b1)
    # dense_features: identity passthrough of numeric column
    x2 = dense_col
    # concat + dense2: Dense(1, sigmoid)
    concatenated = jnp.concatenate([x1, x2], axis=1)
    output = jax.nn.sigmoid(concatenated @ w2 + b2)
    return output

if __name__ == "__main__":
    import jax
    _d = setup_inputs()
    print(jax.jit(kernel)(*tuple(_d.values())))

</pallas_src>

<mosaic_0001>
#map = affine_map<(d0, d1) -> (0)>
module attributes {stable_mosaic.version = 14 : i64} {
  func.func @_body(%arg0: i32, %arg1: i32, %arg2: memref<10000xf32, #tpu.memory_space<hbm>>, %arg3: memref<16384xi32, #tpu.memory_space<hbm>>, %arg4: memref<16384xf32, #tpu.memory_space<hbm>>, %arg5: memref<1xf32, #tpu.memory_space<hbm>>, %arg6: memref<1xf32, #tpu.memory_space<hbm>>, %arg7: memref<2xf32, #tpu.memory_space<hbm>>, %arg8: memref<1xf32, #tpu.memory_space<hbm>>, %arg9: memref<16384xf32, #tpu.memory_space<hbm>>, %arg10: memref<1024xi32, #tpu.memory_space<vmem>>, %arg11: memref<1024xf32, #tpu.memory_space<vmem>>, %arg12: memref<1024xf32, #tpu.memory_space<vmem>>, %arg13: memref<32xf32, #tpu.memory_space<vmem>>, %arg14: memref<1024xf32, #tpu.memory_space<vmem>>, %arg15: memref<!tpu.dma_semaphore, #tpu.memory_space<semaphore_mem>>) attributes {dimension_semantics = [#tpu.dimension_semantics<core_parallel>, #tpu.dimension_semantics<subcore_parallel>], iteration_bounds = array<i64: 1, 16>, scalar_prefetch = 0 : i64, scratch_operands = 6 : i64, tpu.core_type = #tpu.core_type<sc_vector_subcore>, window_params = [{transform_indices = #map}, {transform_indices = #map}, {transform_indices = #map}, {transform_indices = #map}, {transform_indices = #map}, {transform_indices = #map}, {transform_indices = #map}, {transform_indices = #map}]} {
    %mul3A = arith.constant 1 : i32
    %mul3A_0 = arith.muli %arg1, %mul3A : i32
    %add3A = arith.addi %mul3A_0, %arg0 : i32
    %mul3A_1 = arith.constant 1024 : i32
    %mul3A_2 = arith.muli %add3A, %mul3A_1 : i32
    %dma_start3A = tpu.memref_slice %arg3[%mul3A_2] : memref<16384xi32, #tpu.memory_space<hbm>> -> memref<1024xi32, #tpu.memory_space<hbm>>
    %dma_start3A_3 = tpu.memref_slice %arg3[%mul3A_2] : memref<16384xi32, #tpu.memory_space<hbm>> -> memref<1024xi32, #tpu.memory_space<hbm>>
    tpu.enqueue_dma source(%dma_start3A_3 : memref<1024xi32, #tpu.memory_space<hbm>>) target(%arg10 : memref<1024xi32, #tpu.memory_space<vmem>>) target_semaphore(%arg15 : memref<!tpu.dma_semaphore, #tpu.memory_space<semaphore_mem>>)
    %dma_start3A_4 = tpu.memref_slice %arg4[%mul3A_2] : memref<16384xf32, #tpu.memory_space<hbm>> -> memref<1024xf32, #tpu.memory_space<hbm>>
    %dma_start3A_5 = tpu.memref_slice %arg4[%mul3A_2] : memref<16384xf32, #tpu.memory_space<hbm>> -> memref<1024xf32, #tpu.memory_space<hbm>>
    tpu.enqueue_dma source(%dma_start3A_5 : memref<1024xf32, #tpu.memory_space<hbm>>) target(%arg12 : memref<1024xf32, #tpu.memory_space<vmem>>) target_semaphore(%arg15 : memref<!tpu.dma_semaphore, #tpu.memory_space<semaphore_mem>>)
    %dma_start3A_6 = arith.constant 0 : i32
    %dma_start3A_7 = tpu.memref_slice %arg13[%dma_start3A_6] : memref<32xf32, #tpu.memory_space<vmem>> -> memref<1xf32, #tpu.memory_space<vmem>>
    %dma_start3A_8 = arith.constant 0 : i32
    %dma_start3A_9 = tpu.memref_slice %arg13[%dma_start3A_8] : memref<32xf32, #tpu.memory_space<vmem>> -> memref<1xf32, #tpu.memory_space<vmem>>
    tpu.enqueue_dma source(%arg5 : memref<1xf32, #tpu.memory_space<hbm>>) target(%dma_start3A_9 : memref<1xf32, #tpu.memory_space<vmem>>) target_semaphore(%arg15 : memref<!tpu.dma_semaphore, #tpu.memory_space<semaphore_mem>>)
    %dma_start3A_10 = arith.constant 8 : i32
    %dma_start3A_11 = tpu.memref_slice %arg13[%dma_start3A_10] : memref<32xf32, #tpu.memory_space<vmem>> -> memref<1xf32, #tpu.memory_space<vmem>>
    %dma_start3A_12 = arith.constant 8 : i32
    %dma_start3A_13 = tpu.memref_slice %arg13[%dma_start3A_12] : memref<32xf32, #tpu.memory_space<vmem>> -> memref<1xf32, #tpu.memory_space<vmem>>
    tpu.enqueue_dma source(%arg6 : memref<1xf32, #tpu.memory_space<hbm>>) target(%dma_start3A_13 : memref<1xf32, #tpu.memory_space<vmem>>) target_semaphore(%arg15 : memref<!tpu.dma_semaphore, #tpu.memory_space<semaphore_mem>>)
    %dma_start3A_14 = arith.constant 16 : i32
    %dma_start3A_15 = tpu.memref_slice %arg13[%dma_start3A_14] : memref<32xf32, #tpu.memory_space<vmem>> -> memref<2xf32, #tpu.memory_space<vmem>>
    %dma_start3A_16 = arith.constant 16 : i32
    %dma_start3A_17 = tpu.memref_slice %arg13[%dma_start3A_16] : memref<32xf32, #tpu.memory_space<vmem>> -> memref<2xf32, #tpu.memory_space<vmem>>
    tpu.enqueue_dma source(%arg7 : memref<2xf32, #tpu.memory_space<hbm>>) target(%dma_start3A_17 : memref<2xf32, #tpu.memory_space<vmem>>) target_semaphore(%arg15 : memref<!tpu.dma_semaphore, #tpu.memory_space<semaphore_mem>>)
    %dma_start3A_18 = arith.constant 24 : i32
    %dma_start3A_19 = tpu.memref_slice %arg13[%dma_start3A_18] : memref<32xf32, #tpu.memory_space<vmem>> -> memref<1xf32, #tpu.memory_space<vmem>>
    %dma_start3A_20 = arith.constant 24 : i32
    %dma_start3A_21 = tpu.memref_slice %arg13[%dma_start3A_20] : memref<32xf32, #tpu.memory_space<vmem>> -> memref<1xf32, #tpu.memory_space<vmem>>
    tpu.enqueue_dma source(%arg8 : memref<1xf32, #tpu.memory_space<hbm>>) target(%dma_start3A_21 : memref<1xf32, #tpu.memory_space<vmem>>) target_semaphore(%arg15 : memref<!tpu.dma_semaphore, #tpu.memory_space<semaphore_mem>>)
    %dma_wait3A = tpu.memref_slice %arg3[%mul3A_2] : memref<16384xi32, #tpu.memory_space<hbm>> -> memref<1024xi32, #tpu.memory_space<hbm>>
    %dma_wait3A_22 = tpu.memref_slice %arg3[%mul3A_2] : memref<16384xi32, #tpu.memory_space<hbm>> -> memref<1024xi32, #tpu.memory_space<hbm>>
    tpu.wait_dma2 semaphore(%arg15 : memref<!tpu.dma_semaphore, #tpu.memory_space<semaphore_mem>>) src(%dma_wait3A_22 : memref<1024xi32, #tpu.memory_space<hbm>>) dst(%arg10 : memref<1024xi32, #tpu.memory_space<vmem>>)
    %dma_start3A_23 = arith.constant 0 : i32
    %dma_start3A_24 = tpu.memref_slice %arg2[%dma_start3A_23] : memref<10000xf32, #tpu.memory_space<hbm>> -> memref<10000xf32, #tpu.memory_space<hbm>>
    tpu.enqueue_indirect_dma source(%dma_start3A_24 : memref<10000xf32, #tpu.memory_space<hbm>>) target(%arg11 : memref<1024xf32, #tpu.memory_space<vmem>>) offsets(%arg10 : memref<1024xi32, #tpu.memory_space<vmem>>) semaphore(%arg15 : memref<!tpu.dma_semaphore, #tpu.memory_space<semaphore_mem>>)
    %dma_wait3A_25 = tpu.memref_slice %arg4[%mul3A_2] : memref<16384xf32, #tpu.memory_space<hbm>> -> memref<1024xf32, #tpu.memory_space<hbm>>
    %dma_wait3A_26 = tpu.memref_slice %arg4[%mul3A_2] : memref<16384xf32, #tpu.memory_space<hbm>> -> memref<1024xf32, #tpu.memory_space<hbm>>
    tpu.wait_dma2 semaphore(%arg15 : memref<!tpu.dma_semaphore, #tpu.memory_space<semaphore_mem>>) src(%dma_wait3A_26 : memref<1024xf32, #tpu.memory_space<hbm>>) dst(%arg12 : memref<1024xf32, #tpu.memory_space<vmem>>)
    %dma_wait3A_27 = arith.constant 0 : i32
    %dma_wait3A_28 = tpu.memref_slice %arg13[%dma_wait3A_27] : memref<32xf32, #tpu.memory_space<vmem>> -> memref<1xf32, #tpu.memory_space<vmem>>
    %dma_wait3A_29 = arith.constant 0 : i32
    %dma_wait3A_30 = tpu.memref_slice %arg13[%dma_wait3A_29] : memref<32xf32, #tpu.memory_space<vmem>> -> memref<1xf32, #tpu.memory_space<vmem>>
    tpu.wait_dma2 semaphore(%arg15 : memref<!tpu.dma_semaphore, #tpu.memory_space<semaphore_mem>>) src(%arg5 : memref<1xf32, #tpu.memory_space<hbm>>) dst(%dma_wait3A_30 : memref<1xf32, #tpu.memory_space<vmem>>)
    %dma_wait3A_31 = arith.constant 8 : i32
    %dma_wait3A_32 = tpu.memref_slice %arg13[%dma_wait3A_31] : memref<32xf32, #tpu.memory_space<vmem>> -> memref<1xf32, #tpu.memory_space<vmem>>
    %dma_wait3A_33 = arith.constant 8 : i32
    %dma_wait3A_34 = tpu.memref_slice %arg13[%dma_wait3A_33] : memref<32xf32, #tpu.memory_space<vmem>> -> memref<1xf32, #tpu.memory_space<vmem>>
    tpu.wait_dma2 semaphore(%arg15 : memref<!tpu.dma_semaphore, #tpu.memory_space<semaphore_mem>>) src(%arg6 : memref<1xf32, #tpu.memory_space<hbm>>) dst(%dma_wait3A_34 : memref<1xf32, #tpu.memory_space<vmem>>)
    %dma_wait3A_35 = arith.constant 16 : i32
    %dma_wait3A_36 = tpu.memref_slice %arg13[%dma_wait3A_35] : memref<32xf32, #tpu.memory_space<vmem>> -> memref<2xf32, #tpu.memory_space<vmem>>
    %dma_wait3A_37 = arith.constant 16 : i32
    %dma_wait3A_38 = tpu.memref_slice %arg13[%dma_wait3A_37] : memref<32xf32, #tpu.memory_space<vmem>> -> memref<2xf32, #tpu.memory_space<vmem>>
    tpu.wait_dma2 semaphore(%arg15 : memref<!tpu.dma_semaphore, #tpu.memory_space<semaphore_mem>>) src(%arg7 : memref<2xf32, #tpu.memory_space<hbm>>) dst(%dma_wait3A_38 : memref<2xf32, #tpu.memory_space<vmem>>)
    %dma_wait3A_39 = arith.constant 24 : i32
    %dma_wait3A_40 = tpu.memref_slice %arg13[%dma_wait3A_39] : memref<32xf32, #tpu.memory_space<vmem>> -> memref<1xf32, #tpu.memory_space<vmem>>
    %dma_wait3A_41 = arith.constant 24 : i32
    %dma_wait3A_42 = tpu.memref_slice %arg13[%dma_wait3A_41] : memref<32xf32, #tpu.memory_space<vmem>> -> memref<1xf32, #tpu.memory_space<vmem>>
    tpu.wait_dma2 semaphore(%arg15 : memref<!tpu.dma_semaphore, #tpu.memory_space<semaphore_mem>>) src(%arg8 : memref<1xf32, #tpu.memory_space<hbm>>) dst(%dma_wait3A_42 : memref<1xf32, #tpu.memory_space<vmem>>)
    %get3A = arith.constant 0 : index
    %get3A_43 = tpu.vector_load %arg13[%get3A] {strides = array<i32>} : memref<32xf32, #tpu.memory_space<vmem>>, vector<16xf32>,
    %get3A_44 = arith.constant 16 : index
    %get3A_45 = tpu.vector_load %arg13[%get3A_44] {strides = array<i32>} : memref<32xf32, #tpu.memory_space<vmem>>, vector<16xf32>,
    %slice3A = vector.extract_strided_slice %get3A_43 {offsets = [0], sizes = [1], strides = [1]} : vector<16xf32> to vector<1xf32>
    %squeeze3A = vector.extract %slice3A[0] : f32 from vector<1xf32>
    %broadcast_in_dim3A = vector.broadcast %squeeze3A : f32 to vector<16xf32>
    %slice3A_46 = vector.extract_strided_slice %get3A_43 {offsets = [8], sizes = [1], strides = [1]} : vector<16xf32> to vector<1xf32>
    %squeeze3A_47 = vector.extract %slice3A_46[0] : f32 from vector<1xf32>
    %broadcast_in_dim3A_48 = vector.broadcast %squeeze3A_47 : f32 to vector<16xf32>
    %slice3A_49 = vector.extract_strided_slice %get3A_45 {offsets = [0], sizes = [1], strides = [1]} : vector<16xf32> to vector<1xf32>
    %squeeze3A_50 = vector.extract %slice3A_49[0] : f32 from vector<1xf32>
    %broadcast_in_dim3A_51 = vector.broadcast %squeeze3A_50 : f32 to vector<16xf32>
    %slice3A_52 = vector.extract_strided_slice %get3A_45 {offsets = [1], sizes = [1], strides = [1]} : vector<16xf32> to vector<1xf32>
    %squeeze3A_53 = vector.extract %slice3A_52[0] : f32 from vector<1xf32>
    %broadcast_in_dim3A_54 = vector.broadcast %squeeze3A_53 : f32 to vector<16xf32>
    %slice3A_55 = vector.extract_strided_slice %get3A_45 {offsets = [8], sizes = [1], strides = [1]} : vector<16xf32> to vector<1xf32>
    %squeeze3A_56 = vector.extract %slice3A_55[0] : f32 from vector<1xf32>
    %broadcast_in_dim3A_57 = vector.broadcast %squeeze3A_56 : f32 to vector<16xf32>
    %broadcast_in_dim3A_58 = arith.constant 1.000000e+00 : f32
    %broadcast_in_dim3A_59 = vector.broadcast %broadcast_in_dim3A_58 : f32 to vector<16xf32>
    %dma_wait3A_60 = arith.constant 0 : i32
    %dma_wait3A_61 = tpu.memref_slice %arg2[%dma_wait3A_60] : memref<10000xf32, #tpu.memory_space<hbm>> -> memref<10000xf32, #tpu.memory_space<hbm>>
    tpu.wait_indirect_dma semaphore(%arg15 : memref<!tpu.dma_semaphore, #tpu.memory_space<semaphore_mem>>) src(%dma_wait3A_61 : memref<10000xf32, #tpu.memory_space<hbm>>) dst(%arg11 : memref<1024xf32, #tpu.memory_space<vmem>>)
    %parallel_loop3A = arith.constant 0 : i32
    %parallel_loop3A_62 = arith.constant 1024 : i32
    %parallel_loop3A_63 = arith.constant 16 : i32
    scf.for %parallel_loop3A_64 = %parallel_loop3A to %parallel_loop3A_62 step %parallel_loop3A_63  : i32 {
      %parallel_loop3A_65 = arith.index_cast %parallel_loop3A_64 : i32 to index
      %parallel_loop3A_66 = tpu.vector_load %arg11[%parallel_loop3A_65] {strides = array<i32>} : memref<1024xf32, #tpu.memory_space<vmem>>, vector<16xf32>,
      %parallel_loop3A_67 = arith.mulf %parallel_loop3A_66, %broadcast_in_dim3A : vector<16xf32>
      %parallel_loop3A_68 = arith.addf %parallel_loop3A_67, %broadcast_in_dim3A_48 : vector<16xf32>
      %parallel_loop3A_69 = arith.constant 0.000000e+00 : f32
      %parallel_loop3A_70 = vector.broadcast %parallel_loop3A_69 : f32 to vector<16xf32>
      %parallel_loop3A_71 = arith.subf %parallel_loop3A_70, %parallel_loop3A_68 : vector<16xf32>
      %parallel_loop3A_72 = math.exp %parallel_loop3A_71 : vector<16xf32>
      %parallel_loop3A_73 = arith.addf %broadcast_in_dim3A_59, %parallel_loop3A_72 : vector<16xf32>
      %parallel_loop3A_74 = arith.divf %broadcast_in_dim3A_59, %parallel_loop3A_73 : vector<16xf32>
      %parallel_loop3A_75 = arith.index_cast %parallel_loop3A_64 : i32 to index
      %parallel_loop3A_76 = tpu.vector_load %arg12[%parallel_loop3A_75] {strides = array<i32>} : memref<1024xf32, #tpu.memory_space<vmem>>, vector<16xf32>,
      %parallel_loop3A_77 = arith.mulf %parallel_loop3A_74, %broadcast_in_dim3A_51 : vector<16xf32>
      %parallel_loop3A_78 = arith.mulf %parallel_loop3A_76, %broadcast_in_dim3A_54 : vector<16xf32>
      %parallel_loop3A_79 = arith.addf %parallel_loop3A_77, %parallel_loop3A_78 : vector<16xf32>
      %parallel_loop3A_80 = arith.addf %parallel_loop3A_79, %broadcast_in_dim3A_57 : vector<16xf32>
      %parallel_loop3A_81 = arith.constant 0.000000e+00 : f32
      %parallel_loop3A_82 = vector.broadcast %parallel_loop3A_81 : f32 to vector<16xf32>
      %parallel_loop3A_83 = arith.subf %parallel_loop3A_82, %parallel_loop3A_80 : vector<16xf32>
      %parallel_loop3A_84 = math.exp %parallel_loop3A_83 : vector<16xf32>
      %parallel_loop3A_85 = arith.addf %broadcast_in_dim3A_59, %parallel_loop3A_84 : vector<16xf32>
      %parallel_loop3A_86 = arith.divf %broadcast_in_dim3A_59, %parallel_loop3A_85 : vector<16xf32>
      %parallel_loop3A_87 = arith.index_cast %parallel_loop3A_64 : i32 to index
      %parallel_loop3A_88 = tpu.vector_load %arg14[%parallel_loop3A_87] {strides = array<i32>} : memref<1024xf32, #tpu.memory_space<vmem>>, vector<16xf32>,
      tpu.vector_store %arg14[%parallel_loop3A_87], %parallel_loop3A_86 {strides = array<i32>} : memref<1024xf32, #tpu.memory_space<vmem>>, vector<16xf32>,
    } {sc.loop_unroll_factor = 4 : i64, sc.parallel_access}
    "tpu.region"() ({
      %run_scoped3A = tpu.sem_alloc : memref<!tpu.dma_semaphore, #tpu.memory_space<semaphore_mem>>
      %dma_start3A_64 = tpu.memref_slice %arg9[%mul3A_2] : memref<16384xf32, #tpu.memory_space<hbm>> -> memref<1024xf32, #tpu.memory_space<hbm>>
      %dma_start3A_65 = tpu.memref_slice %arg9[%mul3A_2] : memref<16384xf32, #tpu.memory_space<hbm>> -> memref<1024xf32, #tpu.memory_space<hbm>>
      tpu.enqueue_dma source(%arg14 : memref<1024xf32, #tpu.memory_space<vmem>>) target(%dma_start3A_65 : memref<1024xf32, #tpu.memory_space<hbm>>) target_semaphore(%run_scoped3A : memref<!tpu.dma_semaphore, #tpu.memory_space<semaphore_mem>>)
      %dma_wait3A_66 = tpu.memref_slice %arg9[%mul3A_2] : memref<16384xf32, #tpu.memory_space<hbm>> -> memref<1024xf32, #tpu.memory_space<hbm>>
      %dma_wait3A_67 = tpu.memref_slice %arg9[%mul3A_2] : memref<16384xf32, #tpu.memory_space<hbm>> -> memref<1024xf32, #tpu.memory_space<hbm>>
      tpu.wait_dma2 semaphore(%run_scoped3A : memref<!tpu.dma_semaphore, #tpu.memory_space<semaphore_mem>>) src(%arg14 : memref<1024xf32, #tpu.memory_space<vmem>>) dst(%dma_wait3A_67 : memref<1024xf32, #tpu.memory_space<hbm>>)
      tpu.yield
    }) : () -> ()
    return
  }
}

</mosaic_0001>

<sc_bundles>
// kernel: _run.3.cloned.1.call-start
scs
__scs_entry_jumppad:
0x0: {  	(pc) =	sbr.rel $0x88, $3  }
0x1: {  	(tag) =	ssettag $0x0;
	lr =	simm.s32 $0x1  }
0x2: {  	[smem:$0x3F9A] =	sst lr;
	_ =	strace $0xD0000000  }
0x3: {  	_ = 	snop  }
0x4: {  	_ = 	snop  }
0x5: {  	_ = 	snop  }
0x6: {  	_ = 	snop  }
0x7: {  	_ = 	snop  }
__scs_overlays_trampoline_lowered:
0x8: {  	[smem:$0x3FA9] =	sst s0  }
0x9: {  	[smem:$0x3FAA] =	sst s1  }
0xa: {  	[smem:$0x3FAB] =	sst s2  }
0xb: {  	[smem:$0x3FAC] =	sst s3  }
0xc: {  	[smem:$0x3FAD] =	sst s4  }
0xd: {  	[smem:$0x3FAE] =	sst s5  }
0xe: {  	[smem:$0x3FAF] =	sst s6  }
0xf: {  	[smem:$0x3FB0] =	sst s7  }
0x10: {  	[smem:$0x3FB1] =	sst s8  }
0x11: {  	[smem:$0x3FB2] =	sst s9;
	s0 =	simm.s32 @!p0 $0x0  }
0x12: {  	s1 =	sld [smem:$0x3F98];
	s0 =	simm.s32 @p0 $0x1  }
0x13: {  	[smem:$0x3FB3] =	sst s0;
	s0 =	simm.s32 @!p1 $0x0  }
0x14: {  	s2 =	sld [smem:$0x3F97];
	s0 =	simm.s32 @p1 $0x1  }
0x15: {  	[smem:$0x3FB4] =	sst s0;
	s0 =	simm.s32 @!p2 $0x0  }
0x16: {  	s3 =	sld [smem:$0x3FDB];
	s0 =	simm.s32 @p2 $0x1  }
0x17: {  	s4 =	simm.s32 $0x1BF5;
	[smem:$0x3FB6] =	sst s0  }
0x18: {  	s0 =	sld [smem:$0x3F99];
	_ =	swait.ge [sflag:s4], $0x0  }
0x19: {  	s7 =	sld [smem:$0x3F9A]  }
0x1a: {  	s8 =	sadd.s32 $0xFFFFE003, lr  }
0x1b: {  	s9 =	sadd.s32 $0xFFFFFEF7, lr;
	s5 =	simm.s32 $0xFFFFFFFF;
	p2 =	slt.u32 s8, $0xFFFFF086  }
0x1c: {  	p1 =	slt.u32 s9, $0xF7A;
	s5 =	simm.s32 @!p2 $0x0  }
0x1d: {  	s5 =	simm.s32 @p1 $0x1;
	p0 =	seq.s32 s7, s2  }
0x1e: {  	s7 =	smul.u32 @!p0 $0xF7A, s2;
	p2 =	seq.s32 @!p0 s5, $0x0  }
0x1f: {  	s9 =	smul.u32 $0xF7A, s1;
	s8 =	simm.s32 @!p0 $0x1BF5;
	p2 =	por !p2, p0  }
0x20: {  	[sflag:s8] =	ssyncset.s32 @!p0 $0xFFFFF086;
	s6 =	sadd.s32 @!p0 s3, s7;
	s7 =	simm.s32 @!p0 $0x108  }
0x21: {  	s3 =	sadd.s32 s3, s9;
	s6 =	sadd.s32 @!p0 $0x88, s6;
	s7 =	simm.s32 @p2 $0x1082  }
0x22: {  	[simem:s7], [sflag:s8] =	dma.local @!p0 [hbm:s6], $0xF7A  }
0x23: {  	s9 =	sor.u32 $0xD0000000, s2;
	s6 =	simm.s32 $0x108;
	_ =	swait.ge @!p0 [sflag:s8], $0x0  }
0x24: {  	s3 =	sadd.s32 $0x88, s3;
	s6 =	simm.s32 @!p1 $0x1082;
	[sflag:s4] =	ssyncset.s32 $0xFFFFF086  }
0x25: {  	[simem:s6], [sflag:s4] =	dma.local [hbm:s3], $0xF7A  }
0x26: {  	[smem:$0x3F9A] =	sst s1;
	(tag) =	ssettag s2;
	_ =	strace s9  }
0x27: {  	s1 =	sld [smem:$0x3FAA]  }
0x28: {  	s2 =	sld [smem:$0x3FAB]  }
0x29: {  	s4 =	sld [smem:$0x3FAD]  }
0x2a: {  	p0 =	seq.s32 s5, $0x0;
	s5 =	sld [smem:$0x3FAE]  }
0x2b: {  	s6 =	sld [smem:$0x3FAF]  }
0x2c: {  	s7 =	sld [smem:$0x3FB0]  }
0x2d: {  	s3 =	simm.s32 $0x108;
	s8 =	sld [smem:$0x3FB1]  }
0x2e: {  	s3 =	simm.s32 @!p0 $0x1082;
	s9 =	sld [smem:$0x3FB2]  }
0x2f: {  	lr =	sadd.s32 s0, s3;
	s0 =	sld [smem:$0x3FA9]  }
0x30: {  	s3 =	sld [smem:$0x3FAC]  }
0x31: {  	[smem:$0x3FB5] =	sst s10  }
0x32: {  	s10 =	sld [smem:$0x3FB3];
	_ =	sdelay $0x3  }
0x33: {  	p0 =	seq.s32 s10, $0x1;
	s10 =	sld [smem:$0x3FB5];
	_ =	sdelay $0x3  }
0x34: {  	[smem:$0x3FB5] =	sst s10  }
0x35: {  	s10 =	sld [smem:$0x3FB4];
	_ =	sdelay $0x3  }
0x36: {  	p1 =	seq.s32 s10, $0x1;
	s10 =	sld [smem:$0x3FB5];
	_ =	sdelay $0x3  }
0x37: {  	[smem:$0x3FB5] =	sst s10  }
0x38: {  	s10 =	sld [smem:$0x3FB6]  }
0x39: {  	_ = 	snop;
	(pc) =	sbr.ind lr, $3  }
0x3a: {  	_ = 	snop  }
0x3b: {  	_ = 	snop  }
0x3c: {  	p2 =	seq.s32 s10, $0x1;
	s10 =	sld [smem:$0x3FB5]  }
0x3d: {  	_ =	shalt  }
0x3e: {  	_ =	shalt  }
0x3f: {  	_ =	shalt  }
0x40: {  	_ =	shalt  }
0x41: {  	_ =	shalt  }
0x42: {  	_ =	shalt  }
0x43: {  	_ =	shalt  }
0x44: {  	_ =	shalt  }
0x45: {  	_ =	shalt  }
0x46: {  	_ =	shalt  }
0x47: {  	_ =	shalt  }
0x48: {  	_ =	shalt  }
0x49: {  	_ =	shalt  }
0x4a: {  	_ =	shalt  }
0x4b: {  	_ =	shalt  }
0x4c: {  	_ =	shalt  }
0x4d: {  	_ =	shalt  }
0x4e: {  	_ =	shalt  }
0x4f: {  	_ =	shalt  }
0x50: {  	_ =	shalt  }
0x51: {  	_ =	shalt  }
0x52: {  	_ =	shalt  }
0x53: {  	_ =	shalt  }
0x54: {  	_ =	shalt  }
0x55: {  	_ =	shalt  }
0x56: {  	_ =	shalt  }
0x57: {  	_ =	shalt  }
0x58: {  	_ =	shalt  }
0x59: {  	_ =	shalt  }
0x5a: {  	_ =	shalt  }
0x5b: {  	_ =	shalt  }
0x5c: {  	_ =	shalt  }
0x5d: {  	_ =	shalt  }
0x5e: {  	_ =	shalt  }
0x5f: {  	_ =	shalt  }
0x60: {  	_ =	shalt  }
0x61: {  	_ =	shalt  }
0x62: {  	_ =	shalt  }
0x63: {  	_ =	shalt  }
0x64: {  	_ =	shalt  }
0x65: {  	_ =	shalt  }
0x66: {  	_ =	shalt  }
0x67: {  	_ =	shalt  }
0x68: {  	_ =	shalt  }
0x69: {  	_ =	shalt  }
0x6a: {  	_ =	shalt  }
0x6b: {  	_ =	shalt  }
0x6c: {  	_ =	shalt  }
0x6d: {  	_ =	shalt  }
0x6e: {  	_ =	shalt  }
0x6f: {  	_ =	shalt  }
0x70: {  	_ =	shalt  }
0x71: {  	_ =	shalt  }
0x72: {  	_ =	shalt  }
0x73: {  	_ =	shalt  }
0x74: {  	_ =	shalt  }
0x75: {  	_ =	shalt  }
0x76: {  	_ =	shalt  }
0x77: {  	_ =	shalt  }
0x78: {  	_ =	shalt  }
0x79: {  	_ =	shalt  }
0x7a: {  	_ =	shalt  }
0x7b: {  	_ =	shalt  }
0x7c: {  	_ =	shalt  }
0x7d: {  	_ =	shalt  }
0x7e: {  	_ =	shalt  }
0x7f: {  	_ =	shalt  }
0x80: {  	_ =	shalt  }
0x81: {  	_ =	shalt  }
0x82: {  	_ =	shalt  }
0x83: {  	_ =	shalt  }
0x84: {  	_ =	shalt  }
0x85: {  	_ =	shalt  }
0x86: {  	_ =	shalt  }
0x87: {  	_ =	shalt  }
.Lfunc_end0:
.L_simem_size_0:
called_computation_lowered:
.L_overlay_start_0:
0x88: {  	s0 =	sld [smem:$0x3FD9]  }
0x89: {  	s1 =	sld [smem:$0x3FFE];
	_ =	sdelay $0x3  }
0x8a: {  	s0 =	sadd.s32 s1, s0  }
0x8b: {  	[smem:$0x3FC1] =	sst s0  }
0x8c: {  	_ = 	snop  }
0x8d: {  	s0 =	sld [smem:$0x3FC9]  }
0x8e: {  	s17 =	sld [smem:$0x3FC8]  }
0x8f: {  	s2 =	sld [smem:$0x3FC7]  }
0x90: {  	s3 =	sld [smem:$0x3FC6]  }
0x91: {  	s4 =	sld [smem:$0x3FC5]  }
0x92: {  	s5 =	sld [smem:$0x3FC4]  }
0x93: {  	s6 =	sld [smem:$0x3FC3]  }
0x94: {  	s7 =	sld [smem:$0x3FD0];
	(tm) =	ssettm $0x1  }
0x95: {  	s8 =	sld [smem:$0x3FFB];
	_ =	sdelay $0x3  }
0x96: {  	_ =	strace s8  }
0x97: {  	s8 =	sld [smem:$0x3FFC];
	_ =	sdelay $0x3  }
0x98: {  	_ =	strace s8  }
0x99: {  	s8 =	sld [smem:$0x3FFD];
	_ =	sdelay $0x3  }
0x9a: {  	_ =	strace s8  }
0x9b: {  	_ =	strace $0x8FFFFFFF  }
0x9c: {  	s18 =	sld [smem:$0x3FDB];
	_ =	sdelay $0x1  }
0x9d: {  	s9 =	simm.s32 $_scs_section_size  }
0x9e: {  	s10 =	simm.s32 $_size__tile_overlayer_lowered;
	s11 =	simm.s32 $_tile_overlayer_lowered  }
0x9f: {  	s21 =	simm.s32 $0x1BFF;
	s20 =	sshll.u32 s11, $0x1;
	s8 =	sadd.s32 s9, s18  }
0xa0: {  	s12 =	simm.s32 $0x0;
	s19 =	sshll.u32 s10, $0x1;
	s10 =	sadd.s32 s20, s8  }
0xa1: {  	[timem:s12], [sflag:s21] =	dma.local [hbm:s10], s19  }
0xa2: {  	_ =	swait.ge [sflag:s21], s19  }
0xa3: {  	s9 =	ssub.s32 $0x0, s19;
	[sflag:s21] =	ssyncset.done $0x0  }
0xa4: {  	[sflag:s21] =	ssyncadd.s32 s9;
	_ =	sdelay $0x1  }
0xa5: {  	s22 =	simm.s32 $0x1B8B  }
0xa6: {  	_ =	swait.ge [sflag:s22], $0x1  }
0xa7: {  	[sflag:s22] =	ssyncset.done $0x0  }
0xa8: {  	s23 =	simm.s32 $0x1B8E;
	[sflag:s22] =	ssyncadd.s32 $0xFFFFFFFF  }
0xa9: {  	s24 =	simm.s32 $execute0_lowered;
	[smem:$0x3FD2] =	sst s23  }
0xaa: {  	s9 =	sshll.u32 s24, $0x1;
	_ =	strace $0x80000046;
	[dreg:$0x1] =	wrdreg $0xFFFFFFFF  }
0xab: {  	s25 =	simm.s32 $_size_execute0_lowered;
	s8 =	sadd.s32 s8, s9;
	[dreg:$0x0] =	wrdreg $0x0  }
0xac: {  	s9 =	sshll.u32 s25, $0x1;
	[dreg:$0x2] =	wrdreg s8  }
0xad: {  	[dreg:$0x3] =	wrdreg s9  }
0xae: {  	[dreg:$0x4] =	wrdreg $0xC0  }
0xaf: {  	_ =	task [dreg:s12], $0x5FFFF  }
0xb0: {  	[dreg:$0x1] =	wrdreg $0xFFFFFFFF  }
0xb1: {  	[dreg:$0x0] =	wrdreg $0x60  }
0xb2: {  	[dreg:$0x2] =	wrdreg s0  }
0xb3: {  	[dreg:$0x3] =	wrdreg s17  }
0xb4: {  	[dreg:$0x4] =	wrdreg s2  }
0xb5: {  	[dreg:$0x5] =	wrdreg s3  }
0xb6: {  	[dreg:$0x6] =	wrdreg s4  }
0xb7: {  	[dreg:$0x7] =	wrdreg s5  }
0xb8: {  	[dreg:$0x8] =	wrdreg s6  }
0xb9: {  	[dreg:$0x9] =	wrdreg s7  }
0xba: {  	[dreg:$0xa] =	wrdreg $0x9  }
0xbb: {  	_ =	task.clear_ibuf [dreg:s12], $0xBFFFF;
	_ =	strace $0x90000046  }
0xbc: {  	s26 =	simm.s32 $0x9;
	_ =	strace $0x80000048  }
0xbd: {  	_ =	swait.ge [sflag:s26], $0x1  }
0xbe: {  	[sflag:s26] =	ssyncadd.s32 $0xFFFFFFFF  }
0xbf: {  	_ =	strace $0x90000048  }
0xc0: {  	_ =	sfence  }
0xc1: {  	s28 =	sld [smem:$0x0];
	_ =	sdelay $0x1  }
0xc2: {  	s29 =	srdreg.scid  }
0xc3: {  	s30 =	sshll.u32 s29, $0xD;
	s31 =	sshrl.u32 s29, $0x2  }
0xc4: {  	s1 =	sand.u32 $0x1, s29;
	s2 =	sand.u32 $0x4000, s30;
	s0 =	sadd.s32 s31, s28  }
0xc5: {  	s1 =	sor.u32 s2, s1;
	s0 =	sshll.u32 s0, $0x11  }
0xc6: {  	s0 =	sor.u32 s0, s1  }
0xc7: {  	s0 =	sadd.s32 $0x8F2B, s0  }
0xc8: {  	[sflag:s0] =	ssyncadd.remote.s32 $0x1  }
0xc9: {  	_ =	sfence.sel $0xFFFF  }
0xca: {  	[dreg:$0x0] =	wrdreg $0xFFFFFFFF;
	(pc) =	sbr.abs _section_cstart, $3  }
0xcb: {  	[dreg:$0x1] =	wrdreg $0xFFFFFFFF  }
0xcc: {  	_ =	task.clear_ibuf [dreg:s12], $0x2FFFF;
	_ =	strace $0x9FFFFFFF  }
0xcd: {  	(tm) =	ssettm $0x7FFFFFFF  }
tec
execute0_lowered:
.L_overlay_start_1:
0x0: {  	(tag) =	ssettag $0x1  }
0x1: {  	s4 =	rddreg [dreg:$0x0]  }
0x2: {  	s5 =	rddreg [dreg:$0x1]  }
0x3: {  	s6 =	rddreg [dreg:$0x2]  }
0x4: {  	s7 =	rddreg [dreg:$0x3]  }
0x5: {  	s8 =	rddreg [dreg:$0x4]  }
0x6: {  	s9 =	rddreg [dreg:$0x5]  }
0x7: {  	s10 =	rddreg [dreg:$0x6]  }
0x8: {  	s2 =	rddreg [dreg:$0x7];
	s11 =	simm.s32 $0x0;
	s1 =	stileid.u32  }
0x9: {  	[smem:$0x7FF] =	sst s11;
	s3 =	sshll.u32 s1, $0x7  }
0xa: {  	s0 =	rddreg [dreg:$0x8];
	_ =	strace $0x80000047;
	s5 =	sadd.s32 s5, s3  }
0xb: {  	[tilespmem:s11], [sflag:$0x1] =	stream.linear.gather [hbm4b:s5+s11], $0x400, $0x38;
	[tilespmem:$0x1020] =	vst v63  }
0xc: {  	s16 =	simm.s32 $0x800;
	s15 =	sadd.s32 s6, s3  }
0xd: {  	[tilespmem:s16], [sflag:$0x1] =	stream.linear.gather [hbm4b:s15+s11], $0x400, $0x38;
	[tilespmem:$0x1020] =	vst v63  }
0xe: {  	s17 =	simm.s32 $0xC00  }
0xf: {  	[tilespmem:s17], [sflag:$0x1] =	stream.linear.gather [hbm4b:s7+s11], $0x1, $0x38;
	[tilespmem:$0x1020] =	vst v63  }
0x10: {  	s18 =	simm.s32 $0xC08  }
0x11: {  	[tilespmem:s18], [sflag:$0x1] =	stream.linear.gather [hbm4b:s8+s11], $0x1, $0x38;
	[tilespmem:$0x1020] =	vst v63  }
0x12: {  	s19 =	simm.s32 $0xC10  }
0x13: {  	[tilespmem:s19], [sflag:$0x1] =	stream.linear.gather [hbm4b:s9+s11], $0x2, $0x38;
	[tilespmem:$0x1020] =	vst v63  }
0x14: {  	s20 =	simm.s32 $0xC18;
	s21 =	simm.s32 $0x1  }
0x15: {  	[tilespmem:s20], [sflag:$0x1] =	stream.linear.gather [hbm4b:s10+s11], $0x1, $0x38;
	[tilespmem:$0x1020] =	vst v63  }
0x16: {  	_ =	swait.ge [sflag:s21], $0x400  }
0x17: {  	[sflag:s21] =	ssyncset.done $0x0  }
0x18: {  	s22 =	simm.s32 $0x400;
	[sflag:s21] =	ssyncadd.s32 $0xFFFFFC00  }
0x19: {  	[tilespmem:s22], [sflag:$0x1] =	stream.indirect.gather [hbm4b:s4+s22], $0x1, s11, s22, $0xb8;
	[tilespmem:$0x1020] =	vst v63  }
0x1a: {  	_ =	swait.ge [sflag:s21], $0x400  }
0x1b: {  	[sflag:s21] =	ssyncset.done $0x0  }
0x1c: {  	[sflag:s21] =	ssyncadd.s32 $0xFFFFFC00  }
0x1d: {  	_ =	swait.ge [sflag:s21], $0x1  }
0x1e: {  	[sflag:s21] =	ssyncset.done $0x0  }
0x1f: {  	[sflag:s21] =	ssyncadd.s32 $0xFFFFFFFF  }
0x20: {  	_ =	swait.ge [sflag:s21], $0x1  }
0x21: {  	[sflag:s21] =	ssyncset.done $0x0  }
0x22: {  	[sflag:s21] =	ssyncadd.s32 $0xFFFFFFFF  }
0x23: {  	_ =	swait.ge [sflag:s21], $0x2  }
0x24: {  	[sflag:s21] =	ssyncset.done $0x0  }
0x25: {  	[sflag:s21] =	ssyncadd.s32 $0xFFFFFFFE  }
0x26: {  	_ =	swait.ge [sflag:s21], $0x1  }
0x27: {  	[sflag:s21] =	ssyncset.done $0x0  }
0x28: {  	[sflag:s21] =	ssyncadd.s32 $0xFFFFFFFF  }
0x29: {  	v0 =	vld [tilespmem:$0xC00]  }
0x2a: {  	v1 =	vld [tilespmem:$0xC10];
	_ =	swait.ge [sflag:s21], $0x400  }
0x2b: {  	[sflag:s21] =	ssyncset.done $0x0  }
0x2c: {  	s23 =	simm.s32 $0x420;
	[sflag:s21] =	ssyncadd.s32 $0xFFFFFC00  }
0x2d: {  	v2 =	vld [tilespmem:s23+$0xFFFFFFF0]  }
0x2e: {  	v5 =	vld [tilespmem:s23+$0xFFFFFFE0]  }
0x2f: {  	v6 =	vld [tilespmem:s23+$0x0]  }
0x30: {  	v3 =	vbroadcast v0, $0x0;
	_ =	sdelay $0x1  }
0x31: {  	v4 =	vbroadcast v0, $0x8;
	v0 =	vmul.f32 v2, v3  }
0x32: {  	v2 =	vmul.f32 v5, v3  }
0x33: {  	v5 =	vmul.f32 v6, v3;
	v0 =	vadd.f32 v0, v4  }
0x34: {  	v2 =	vadd.f32 v2, v4  }
0x35: {  	v5 =	vadd.f32 v5, v4;
	v0 =	vsub.f32 $0.0e+00, v0  }
0x36: {  	v2 =	vsub.f32 $0.0e+00, v2  }
0x37: {  	v5 =	vsub.f32 $0.0e+00, v5;
	v0 =	vmul.f32 $1.442695020e+00, v0  }
0x38: {  	v6 =	vld [tilespmem:s23+$0x10];
	v2 =	vmul.f32 $1.442695020e+00, v2  }
0x39: {  	v5 =	vmul.f32 $1.442695020e+00, v5;
	(erf) = vpow2.f32 v0  }
0x3a: {  	(erf) = vpow2.f32 v2  }
0x3b: {  	(erf) = vpow2.f32 v5;
	_ =	sdelay $0x1  }
0x3c: {  	v0 =	vmul.f32 v6, v3;
	_ =	sdelay $0x1  }
0x3d: {  	v0 =	vadd.f32 v0, v4  }
0x3e: {  	s24 =	simm.s32 $0x460  }
0x3f: {  	v2 =	vld [tilespmem:s24+$0xFFFFFFF0];
	v0 =	vsub.f32 $0.0e+00, v0  }
0x40: {  	v6 =	vld [tilespmem:s24+$0xFFFFFFE0];
	v5 =	vpop (erf)  }
0x41: {  	v8 =	vld [tilespmem:s24+$0x0];
	v0 =	vmul.f32 $1.442695020e+00, v0;
	v7 =	vpop (erf)  }
0x42: {  	v7 =	vadd.f32 $1.000000000e+00, v7;
	v9 =	vpop (erf)  }
0x43: {  	(erf) = vpow2.f32 v0;
	v0 =	vadd.f32 $1.000000000e+00, v9  }
0x44: {  	v2 =	vmul.f32 v2, v3;
	(erf) = vrcp.f32 v7  }
0x45: {  	(erf) = vrcp.f32 v0;
	v0 =	vmul.f32 v6, v3  }
0x46: {  	v8 =	vmul.f32 v8, v3;
	v6 =	vadd.f32 v2, v4  }
0x47: {  	v9 =	vadd.f32 v0, v4  }
0x48: {  	v8 =	vadd.f32 v8, v4;
	v6 =	vsub.f32 $0.0e+00, v6  }
0x49: {  	s25 =	simm.s32 $0x820;
	v10 =	vld [tilespmem:s24+$0x10];
	v5 =	vadd.f32 $1.000000000e+00, v5;
	v9 =	vsub.f32 $0.0e+00, v9  }
0x4a: {  	v8 =	vsub.f32 $0.0e+00, v8;
	v7 =	vld [tilespmem:s25+$0x0];
	v6 =	vmul.f32 $1.442695020e+00, v6  }
0x4b: {  	(erf) = vrcp.f32 v5;
	v5 =	vmul.f32 $1.442695020e+00, v9  }
0x4c: {  	v8 =	vmul.f32 $1.442695020e+00, v8  }
0x4d: {  	v2 =	vbroadcast v1, $0x1;
	v0 =	vbroadcast v1, $0x0;
	v11 =	vpop (erf)  }
0x4e: {  	(erf) = vpow2.f32 v6;
	v9 =	vmul.f32 v10, v3;
	v6 =	vpop (erf)  }
0x4f: {  	v7 =	vmul.f32 v7, v2;
	(erf) = vpow2.f32 v5;
	v5 =	vpop (erf)  }
0x50: {  	v12 =	vld [tilespmem:s25+$0xFFFFFFF0];
	v9 =	vadd.f32 v9, v4;
	(erf) = vpow2.f32 v8;
	v5 =	vmul.f32 v5, v0;
	_ =	sdelay $0x1  }
0x51: {  	v1 =	vbroadcast v1, $0x8;
	v5 =	vadd.f32 v5, v7;
	v7 =	vsub.f32 $0.0e+00, v9  }
0x52: {  	s28 =	simm.s32 $0x4A0;
	v8 =	vld [tilespmem:s25+$0xFFFFFFE0]  }
0x53: {  	v15 =	vld [tilespmem:s28+$0xFFFFFFF0];
	v5 =	vadd.f32 v5, v1;
	v7 =	vmul.f32 $1.442695020e+00, v7  }
0x54: {  	v12 =	vmul.f32 v12, v2;
	v14 =	vpop (erf)  }
0x55: {  	v14 =	vmul.f32 v14, v0;
	v5 =	vsub.f32 $0.0e+00, v5;
	(erf) = vpow2.f32 v7;
	v7 =	vld [tilespmem:s28+$0xFFFFFFE0]  }
0x56: {  	v11 =	vadd.f32 $1.000000000e+00, v11;
	v6 =	vmul.f32 v6, v0;
	v16 =	vpop (erf)  }
0x57: {  	s26 =	simm.s32 $0x860;
	v8 =	vmul.f32 v8, v2;
	v12 =	vadd.f32 v14, v12;
	v17 =	vpop (erf);
	v5 =	vmul.f32 $1.442695020e+00, v5  }
0x58: {  	v13 =	vld [tilespmem:s26+$0xFFFFFFE0];
	v14 =	vmul.f32 v15, v3;
	(erf) = vrcp.f32 v11;
	v17 =	vadd.f32 $1.000000000e+00, v17;
	v18 =	vpop (erf)  }
0x59: {  	v6 =	vadd.f32 v6, v8;
	v11 =	vld [tilespmem:s28+$0x0];
	v18 =	vadd.f32 $1.000000000e+00, v18;
	(erf) = vpow2.f32 v5  }
0x5a: {  	v8 =	vld [tilespmem:s28+$0x10];
	v14 =	vadd.f32 v14, v4;
	(erf) = vrcp.f32 v17;
	v7 =	vmul.f32 v7, v3  }
0x5b: {  	v5 =	vld [tilespmem:s26+$0x0];
	(erf) = vrcp.f32 v18  }
0x5c: {  	v10 =	vld [tilespmem:s25+$0x10];
	v14 =	vsub.f32 $0.0e+00, v14;
	v7 =	vadd.f32 v7, v4  }
0x5d: {  	v19 =	vld [tilespmem:s26+$0xFFFFFFF0];
	v15 =	vadd.f32 $1.000000000e+00, v16  }
0x5e: {  	v14 =	vmul.f32 $1.442695020e+00, v14;
	v11 =	vmul.f32 v11, v3;
	v7 =	vsub.f32 $0.0e+00, v7  }
0x5f: {  	v12 =	vadd.f32 v12, v1;
	v8 =	vmul.f32 v8, v3;
	(erf) = vrcp.f32 v15  }
0x60: {  	v11 =	vadd.f32 v11, v4;
	v15 =	vmul.f32 v5, v2;
	v5 =	vpop (erf);
	v7 =	vmul.f32 $1.442695020e+00, v7  }
0x61: {  	v13 =	vmul.f32 v13, v2;
	v10 =	vmul.f32 v10, v2;
	v8 =	vadd.f32 v8, v4;
	v17 =	vpop (erf)  }
0x62: {  	v16 =	vmul.f32 v19, v2;
	v12 =	vsub.f32 $0.0e+00, v12;
	v11 =	vsub.f32 $0.0e+00, v11;
	v19 =	vpop (erf)  }
0x63: {  	(erf) = vpow2.f32 v14;
	v8 =	vsub.f32 $0.0e+00, v8;
	v17 =	vmul.f32 v17, v0;
	v14 =	vpop (erf)  }
0x64: {  	s29 =	simm.s32 $0x8A0;
	v6 =	vadd.f32 v6, v1;
	v11 =	vmul.f32 $1.442695020e+00, v11;
	(erf) = vpow2.f32 v7;
	v7 =	vpop (erf)  }
0x65: {  	v18 =	vld [tilespmem:s29+$0x10];
	v8 =	vmul.f32 $1.442695020e+00, v8;
	v10 =	vadd.f32 v17, v10;
	v7 =	vmul.f32 v7, v0  }
0x66: {  	v12 =	vmul.f32 $1.442695020e+00, v12;
	v6 =	vsub.f32 $0.0e+00, v6;
	(erf) = vpow2.f32 v11;
	v11 =	vld [tilespmem:s29+$0xFFFFFFF0]  }
0x67: {  	v10 =	vadd.f32 v10, v1;
	(erf) = vpow2.f32 v8;
	v7 =	vadd.f32 v7, v15  }
0x68: {  	s30 =	simm.s32 $0x4E0;
	v6 =	vmul.f32 $1.442695020e+00, v6;
	(erf) = vpow2.f32 v12;
	v15 =	vpop (erf)  }
0x69: {  	v12 =	vld [tilespmem:s30+$0x10];
	v8 =	vsub.f32 $0.0e+00, v10;
	v10 =	vmul.f32 v15, v0;
	v15 =	vadd.f32 v7, v1  }
0x6a: {  	v20 =	vadd.f32 $1.000000000e+00, v5;
	v5 =	vmul.f32 v18, v2;
	v18 =	vadd.f32 $1.000000000e+00, v19;
	v19 =	vld [tilespmem:s30+$0xFFFFFFF0]  }
0x6b: {  	v14 =	vmul.f32 v14, v0;
	v7 =	vmul.f32 v11, v2;
	v11 =	vsub.f32 $0.0e+00, v15  }
0x6c: {  	(erf) = vpow2.f32 v6;
	v8 =	vmul.f32 $1.442695020e+00, v8  }
0x6d: {  	v6 =	vadd.f32 v14, v13;
	v13 =	vpop (erf);
	(erf) = vrcp.f32 v20;
	v15 =	vld [tilespmem:s30+$0xFFFFFFE0];
	v11 =	vmul.f32 $1.442695020e+00, v11  }
0x6e: {  	v10 =	vadd.f32 v10, v16;
	(erf) = vpow2.f32 v8;
	v12 =	vmul.f32 v12, v3;
	v16 =	vpop (erf)  }
0x6f: {  	(erf) = vrcp.f32 v18;
	v18 =	vmul.f32 v19, v3;
	v16 =	vadd.f32 $1.000000000e+00, v16  }
0x70: {  	v8 =	vadd.f32 $1.000000000e+00, v13;
	v13 =	vld [tilespmem:s30+$0x0];
	v20 =	vpop (erf);
	v10 =	vadd.f32 v10, v1;
	(erf) = vpow2.f32 v11  }
0x71: {  	v9 =	vld [tilespmem:s26+$0x10];
	v19 =	vadd.f32 $1.000000000e+00, v20;
	(erf) = vrcp.f32 v16;
	v16 =	vadd.f32 v18, v4;
	v11 =	vpop (erf)  }
0x72: {  	v18 =	vsub.f32 $0.0e+00, v10;
	v15 =	vmul.f32 v15, v3;
	v10 =	vadd.f32 $1.000000000e+00, v11  }
0x73: {  	v21 =	vld [tilespmem:s29+$0x0];
	(erf) = vrcp.f32 v19;
	v11 =	vsub.f32 $0.0e+00, v16;
	v16 =	vadd.f32 v12, v4;
	v12 =	vpop (erf)  }
0x74: {  	v17 =	vld [tilespmem:s29+$0xFFFFFFE0];
	(erf) = vrcp.f32 v8;
	v8 =	vadd.f32 v15, v4;
	v15 =	vadd.f32 $1.000000000e+00, v12  }
0x75: {  	v13 =	vmul.f32 v13, v3  }
0x76: {  	v9 =	vmul.f32 v9, v2;
	v19 =	vpop (erf);
	v8 =	vsub.f32 $0.0e+00, v8  }
0x77: {  	v13 =	vadd.f32 v13, v4;
	v12 =	vmul.f32 $1.442695020e+00, v18;
	v11 =	vmul.f32 $1.442695020e+00, v11;
	v18 =	vpop (erf)  }
0x78: {  	v19 =	vadd.f32 $1.000000000e+00, v19;
	(erf) = vrcp.f32 v15;
	v8 =	vmul.f32 $1.442695020e+00, v8;
	v15 =	vpop (erf)  }
0x79: {  	v17 =	vmul.f32 v17, v2;
	v14 =	vmul.f32 v21, v2;
	v20 =	vpop (erf)  }
0x7a: {  	s31 =	simm.s32 $0x8E0;
	v13 =	vsub.f32 $0.0e+00, v13;
	v18 =	vmul.f32 v18, v0;
	(erf) = vrcp.f32 v19;
	v62 =	vpop (erf)  }
0x7b: {  	v6 =	vadd.f32 v6, v1;
	v16 =	vsub.f32 $0.0e+00, v16;
	v19 =	vld [tilespmem:s31+$0x10];
	(erf) = vpow2.f32 v11;
	v11 =	vpop (erf)  }
0x7c: {  	v9 =	vadd.f32 v18, v9;
	v18 =	vmul.f32 $1.442695020e+00, v13;
	(erf) = vpow2.f32 v8;
	v8 =	vpop (erf)  }
0x7d: {  	v63 =	vld [tilespmem:s31+$0xFFFFFFE0];
	v16 =	vmul.f32 $1.442695020e+00, v16;
	v15 =	vadd.f32 $1.000000000e+00, v15;
	v8 =	vmul.f32 v8, v0  }
0x7e: {  	v22 =	vsub.f32 $0.0e+00, v6;
	(erf) = vpow2.f32 v18;
	v11 =	vmul.f32 v11, v0  }
0x7f: {  	v18 =	vadd.f32 v9, v1;
	(erf) = vrcp.f32 v15;
	v23 =	vadd.f32 v8, v14;
	v14 =	vld [tilespmem:s31+$0xFFFFFFF0]  }
0x80: {  	v9 =	vld [tilespmem:s31+$0x0];
	v13 =	vadd.f32 $1.000000000e+00, v62;
	v6 =	vmul.f32 v19, v2;
	(erf) = vpow2.f32 v16  }
0x81: {  	s6 =	simm.s32 $0xC0;
	s4 =	simm.s32 $0xC40;
	v19 =	vsub.f32 $0.0e+00, v18;
	v16 =	vpop (erf);
	v15 =	vadd.f32 v11, v17;
	v17 =	vmul.f32 $1.442695020e+00, v22  }
0x82: {  	s5 =	simm.s32 $0xC40;
	s7 =	simm.s32 $0x520;
	s8 =	simm.s32 $0x920;
	[tilespmem:s4+$0x0] =	vst v20;
	v16 =	vmul.f32 v16, v0;
	v8 =	vmul.f32 v63, v2;
	v11 =	vpop (erf);
	v18 =	vadd.f32 v23, v1  }
.LBB2_1:
0x83: {  	v20 =	vld [tilespmem:s7+$0xFFFFFFF0];
	s6 =	sadd.s32 $0x40, s6;
	v19 =	vmul.f32 $1.442695020e+00, v19;
	(erf) = vpow2.f32 v12;
	s4 =	sadd.s32 $0x40, s4;
	v12 =	vpop (erf)  }
0x84: {  	v21 =	vld [tilespmem:s8+$0x0];
	p0 =	slt.u32 s6, $0x3C0;
	v14 =	vmul.f32 v14, v2;
	v18 =	vsub.f32 $0.0e+00, v18;
	(erf) = vpow2.f32 v17;
	[tilespmem:s5+$0xFFFFFFE0] =	vst v12  }
0x85: {  	v17 =	vmul.f32 v9, v2;
	v7 =	vadd.f32 v16, v7;
	v12 =	vld [tilespmem:s7+$0x10];
	v9 =	vpop (erf);
	(erf) = vrcp.f32 v10  }
0x86: {  	v10 =	vld [tilespmem:s7+$0xFFFFFFE0];
	v16 =	vadd.f32 $1.000000000e+00, v9;
	v9 =	vpop (erf);
	v22 =	vmul.f32 $1.442695020e+00, v18;
	(erf) = vpow2.f32 v19;
	[tilespmem:s5+$0xFFFFFFF0] =	vst v11  }
0x87: {  	v24 =	vadd.f32 v7, v1;
	v11 =	vld [tilespmem:s7+$0x0];
	v23 =	vadd.f32 $1.000000000e+00, v9;
	v19 =	vpop (erf);
	(erf) = vrcp.f32 v13  }
0x88: {  	v13 =	vmul.f32 v20, v3;
	v19 =	vadd.f32 $1.000000000e+00, v19;
	(erf) = vpow2.f32 v22;
	v18 =	vpop (erf)  }
0x89: {  	v15 =	vadd.f32 v15, v1;
	v22 =	vsub.f32 $0.0e+00, v24;
	(erf) = vrcp.f32 v23;
	v20 =	vpop (erf);
	[tilespmem:s5+$0x10] =	vst v18;
	s5 =	smov.u32 s4  }
0x8a: {  	v7 =	vmovc v14;
	v9 =	vmovc v21;
	v13 =	vadd.f32 v13, v4;
	v12 =	vmul.f32 v12, v3;
	(erf) = vrcp.f32 v19  }
0x8b: {  	v14 =	vmul.f32 v10, v3;
	v10 =	vadd.f32 $1.000000000e+00, v20;
	(erf) = vrcp.f32 v16  }
0x8c: {  	v13 =	vsub.f32 $0.0e+00, v13;
	v11 =	vmul.f32 v11, v3;
	v16 =	vadd.f32 v12, v4;
	v18 =	vpop (erf)  }
0x8d: {  	v12 =	vmul.f32 $1.442695020e+00, v22;
	v14 =	vadd.f32 v14, v4;
	v21 =	vadd.f32 $1.000000000e+00, v18;
	v19 =	vpop (erf)  }
0x8e: {  	v13 =	vmul.f32 $1.442695020e+00, v13;
	v11 =	vadd.f32 v11, v4;
	v20 =	vpop (erf);
	v22 =	vadd.f32 $1.000000000e+00, v19  }
0x8f: {  	v14 =	vsub.f32 $0.0e+00, v14;
	v20 =	vmul.f32 v20, v0;
	(erf) = vrcp.f32 v21;
	v18 =	vpop (erf)  }
0x90: {  	v11 =	vsub.f32 $0.0e+00, v11;
	v18 =	vadd.f32 $1.000000000e+00, v18;
	(erf) = vrcp.f32 v22;
	v19 =	vpop (erf)  }
0x91: {  	v16 =	vsub.f32 $0.0e+00, v16;
	v14 =	vmul.f32 $1.442695020e+00, v14;
	v21 =	vld [tilespmem:s8+$0x10];
	v20 =	vadd.f32 v20, v5;
	v5 =	vpop (erf);
	[tilespmem:s4+$0x0] =	vst v19  }
0x92: {  	v11 =	vmul.f32 $1.442695020e+00, v11;
	(erf) = vpow2.f32 v13;
	v19 =	vpop (erf);
	v13 =	vadd.f32 $1.000000000e+00, v5  }
0x93: {  	v23 =	vsub.f32 $0.0e+00, v15;
	v16 =	vmul.f32 $1.442695020e+00, v16;
	v22 =	vld [tilespmem:s8+$0xFFFFFFE0];
	(erf) = vpow2.f32 v14;
	v5 =	vpop (erf)  }
.Ltmp0:
0x94: {  	(erf) = vpow2.f32 v11;
	v11 =	vmul.f32 v5, v0;
	v24 =	vpop (erf);
	v5 =	vmov v6;
	(pc) =	sbr.rel @p0 .LBB2_1-.Ltmp0, $4  }
0x95: {  	v15 =	vmul.f32 v19, v0;
	v19 =	vadd.f32 v20, v1;
	v14 =	vld [tilespmem:s8+$0xFFFFFFF0];
	(erf) = vrcp.f32 v18  }
0x96: {  	v6 =	vmul.f32 v21, v2;
	(erf) = vpow2.f32 v16;
	v20 =	vadd.f32 v11, v17  }
0x97: {  	v15 =	vadd.f32 v15, v8;
	v19 =	vsub.f32 $0.0e+00, v19;
	v17 =	vmul.f32 $1.442695020e+00, v23  }
0x98: {  	s7 =	sadd.s32 $0x40, s7;
	s8 =	sadd.s32 $0x40, s8;
	v16 =	vmul.f32 v24, v0;
	v8 =	vmul.f32 v22, v2;
	v18 =	vadd.f32 v20, v1;
	v11 =	vpop (erf)  }
0x99: {  	(erf) = vpow2.f32 v12  }
0x9a: {  	v3 =	vmul.f32 $1.442695020e+00, v19;
	(erf) = vpow2.f32 v17  }
0x9b: {  	(erf) = vrcp.f32 v10  }
0x9c: {  	v4 =	vpop (erf);
	(erf) = vpow2.f32 v3  }
0x9d: {  	v58 =	vpop (erf)  }
0x9e: {  	v60 =	vsub.f32 $0.0e+00, v18;
	v59 =	vpop (erf)  }
0x9f: {  	v61 =	vpop (erf)  }
0xa0: {  	v7 =	vadd.f32 v16, v7;
	v12 =	vmul.f32 $1.442695020e+00, v60;
	v62 =	vpop (erf)  }
0xa1: {  	v10 =	vadd.f32 $1.000000000e+00, v59;
	(erf) = vrcp.f32 v13;
	v63 =	vpop (erf)  }
0xa2: {  	v7 =	vadd.f32 v7, v1;
	v17 =	vadd.f32 $1.000000000e+00, v61;
	(erf) = vpow2.f32 v12;
	v20 =	vpop (erf)  }
0xa3: {  	v22 =	vadd.f32 v15, v1;
	v3 =	vadd.f32 $1.000000000e+00, v58;
	(erf) = vrcp.f32 v10;
	v21 =	vpop (erf)  }
0xa4: {  	v7 =	vsub.f32 $0.0e+00, v7;
	(erf) = vrcp.f32 v17;
	v13 =	vadd.f32 $1.000000000e+00, v20;
	v23 =	vpop (erf)  }
0xa5: {  	v10 =	vsub.f32 $0.0e+00, v22;
	v25 =	vadd.f32 $1.000000000e+00, v21;
	v24 =	vpop (erf);
	(erf) = vrcp.f32 v3  }
0xa6: {  	v15 =	vmul.f32 v23, v0;
	v26 =	vadd.f32 $1.000000000e+00, v24;
	(erf) = vrcp.f32 v13  }
0xa7: {  	v7 =	vmul.f32 $1.442695020e+00, v7;
	(erf) = vrcp.f32 v25  }
0xa8: {  	v28 =	vmul.f32 $1.442695020e+00, v10;
	v5 =	vadd.f32 v15, v5;
	(erf) = vrcp.f32 v26  }
0xa9: {  	v29 =	vadd.f32 $1.000000000e+00, v63;
	(erf) = vpow2.f32 v7  }
0xaa: {  	v30 =	vpop (erf);
	v27 =	vadd.f32 v5, v1;
	(erf) = vpow2.f32 v28  }
0xab: {  	v31 =	vpop (erf);
	(erf) = vrcp.f32 v29  }
0xac: {  	v32 =	vpop (erf);
	v3 =	vsub.f32 $0.0e+00, v27  }
0xad: {  	v33 =	vpop (erf)  }
0xae: {  	v3 =	vmul.f32 $1.442695020e+00, v3;
	v34 =	vpop (erf)  }
0xaf: {  	v9 =	vmul.f32 v9, v2;
	v12 =	vmul.f32 v33, v0;
	v35 =	vpop (erf)  }
0xb0: {  	(erf) = vpow2.f32 v3;
	v38 =	vpop (erf)  }
0xb1: {  	v9 =	vadd.f32 v12, v9;
	v39 =	vpop (erf)  }
0xb2: {  	v10 =	vmul.f32 v32, v0;
	v40 =	vpop (erf)  }
0xb3: {  	v36 =	vmul.f32 v14, v2;
	v9 =	vadd.f32 v9, v1;
	v37 =	vmul.f32 v34, v0;
	v41 =	vpop (erf)  }
0xb4: {  	v8 =	vadd.f32 v10, v8;
	v42 =	vpop (erf)  }
0xb5: {  	v9 =	vsub.f32 $0.0e+00, v9;
	v2 =	vadd.f32 v37, v36;
	v43 =	vmul.f32 v42, v0  }
0xb6: {  	v5 =	vadd.f32 $1.000000000e+00, v31;
	v8 =	vadd.f32 v8, v1  }
0xb7: {  	v9 =	vmul.f32 $1.442695020e+00, v9;
	v2 =	vadd.f32 v2, v1;
	v0 =	vadd.f32 v43, v6  }
0xb8: {  	(erf) = vrcp.f32 v5;
	v44 =	vadd.f32 $1.000000000e+00, v40;
	v46 =	vadd.f32 $1.000000000e+00, v41  }
0xb9: {  	(erf) = vpow2.f32 v9;
	v2 =	vsub.f32 $0.0e+00, v2;
	v45 =	vpop (erf);
	v0 =	vadd.f32 v0, v1  }
0xba: {  	v48 =	vsub.f32 $0.0e+00, v8;
	(erf) = vrcp.f32 v44;
	v47 =	vadd.f32 $1.000000000e+00, v45  }
0xbb: {  	(erf) = vrcp.f32 v46;
	v49 =	vmul.f32 $1.442695020e+00, v2;
	v0 =	vsub.f32 $0.0e+00, v0  }
0xbc: {  	v50 =	vmul.f32 $1.442695020e+00, v48;
	(erf) = vrcp.f32 v47  }
0xbd: {  	(erf) = vpow2.f32 v49;
	v0 =	vmul.f32 $1.442695020e+00, v0  }
0xbe: {  	(erf) = vpow2.f32 v50  }
0xbf: {  	(erf) = vpow2.f32 v0;
	_ =	sdelay $0x1  }
0xc0: {  	v51 =	vpop (erf)  }
0xc1: {  	v52 =	vpop (erf)  }
0xc2: {  	v53 =	vpop (erf)  }
0xc3: {  	v54 =	vpop (erf)  }
0xc4: {  	v55 =	vpop (erf)  }
0xc5: {  	v1 =	vadd.f32 $1.000000000e+00, v52;
	v56 =	vpop (erf)  }
0xc6: {  	[tilespmem:s5+$0xFFFFFFF0] =	vst v11;
	v8 =	vadd.f32 $1.000000000e+00, v56;
	v57 =	vpop (erf)  }
0xc7: {  	[tilespmem:s5+$0xFFFFFFE0] =	vst v4;
	(erf) = vrcp.f32 v1;
	v58 =	vadd.f32 $1.000000000e+00, v57;
	v59 =	vpop (erf)  }
0xc8: {  	s4 =	sadd.s32 $0x40, s4;
	[tilespmem:s5+$0x10] =	vst v62;
	(erf) = vrcp.f32 v8;
	v4 =	vadd.f32 $1.000000000e+00, v59  }
0xc9: {  	[tilespmem:s4+$0x0] =	vst v30;
	(erf) = vrcp.f32 v58  }
0xca: {  	[tilespmem:s4+$0xFFFFFFF0] =	vst v35;
	(erf) = vrcp.f32 v4  }
0xcb: {  	[tilespmem:s4+$0xFFFFFFE0] =	vst v38  }
0xcc: {  	s26 =	sadd.s32 $0x40, s4;
	[tilespmem:s4+$0x10] =	vst v39  }
0xcd: {  	[tilespmem:s26+$0x0] =	vst v51  }
0xce: {  	[tilespmem:s26+$0xFFFFFFF0] =	vst v53  }
0xcf: {  	[tilespmem:s26+$0xFFFFFFE0] =	vst v54  }
0xd0: {  	s28 =	sadd.s32 $0x40, s26;
	[tilespmem:s26+$0x10] =	vst v55;
	v60 =	vpop (erf)  }
0xd1: {  	[tilespmem:s28+$0x0] =	vst v60;
	v61 =	vpop (erf)  }
0xd2: {  	v62 =	vpop (erf);
	[tilespmem:s28+$0xFFFFFFF0] =	vst v61  }
0xd3: {  	s2 =	sadd.s32 s2, s3;
	[tilespmem:s28+$0xFFFFFFE0] =	vst v62;
	v63 =	vpop (erf)  }
0xd4: {  	s29 =	simm.s32 $0x0;
	s30 =	simm.s32 $0xC20;
	s31 =	simm.s32 $0x2;
	[tilespmem:s28+$0x10] =	vst v63  }
0xd5: {  	[hbm4b:s2+s29] =	stream.linear.scatter [tilespmem:s30], [sflag:$0x2], $0x400, $0x38;
	[tilespmem:$0x1020] =	vst v63  }
0xd6: {  	_ =	swait.ge [sflag:s31], $0x400  }
0xd7: {  	[sflag:s31] =	ssyncset.done $0x0  }
0xd8: {  	[sflag:s31] =	ssyncadd.s32 $0xFFFFFC00  }
0xd9: {  	_ =	sfence.sel $0x180000  }
0xda: {  	[bflag:$0x0] =	sbarrier.arrive $0xFFFF  }
0xdb: {  	p0 =	sne.s32 s1, $0x0;
	_ =	strace $0x90000047  }
0xdc: {  	s0 =	sadd.s32 @!p0 $0x100000, s0;
	[bflag:$0x2] =	sbarrier.arrive $0xFFFF  }
0xdd: {  	[sflag:s0] =	ssyncadd.tile.s32 @!p0 $0x1;
	_ =	shalt  }
.Lfunc_end2:
_tile_overlayer_lowered:
.L_overlay_start_2:
0xde: {  	(tag) =	ssettag $0x2  }
0xdf: {  	s0 =	rddreg [dreg:$0x0];
	s2 =	stileid.u32  }
0xe0: {  	s1 =	rddreg [dreg:$0x1];
	p0 =	sne.s32 s2, $0x0  }
0xe1: {  	s3 =	rddreg [dreg:$0x2];
	[bflag:$0x3] =	sbarrier.arrive $0xFFFF;
	s2 =	simm.s32 @!p0 $0x1C02  }
0xe2: {  	[timem:s3], [sflag:s2] =	dma.local @!p0 [hbm:s0], s1  }
0xe3: {  	s0 =	simm.s32 @!p0 $0x2  }
0xe4: {  	_ =	swait.ge @!p0 [sflag:s0], s1  }
0xe5: {  	s1 =	ssub.s32 @!p0 $0x0, s1;
	[sflag:s0] =	ssyncset.done @!p0 $0x0  }
0xe6: {  	[sflag:s0] =	ssyncadd.s32 @!p0 s1  }
0xe7: {  	[bflag:$0x3] =	sbarrier.arrive $0xFFFF  }
0xe8: {  	_ =	shalt  }

</sc_bundles>
